<compile_context>
chip_gen: v7x
topology: tpu7x:2x2x1
jax: 0.10.2.dev20260603
libtpu: 0.0.44.dev20260713+nightly
codegen_flags: <defaults>
</compile_context>

<pallas_src>
import functools

import jax
import jax.numpy as jnp
from jax import lax
from jax.experimental import pallas as pl
from jax.experimental.pallas import tpu as pltpu
from jax.experimental.pallas import tpu_sc as plsc

GAMMA = 12.0
HIDDEN = 128
BATCH = 4096

_info = plsc.get_sparse_core_info()
_NC, _NS = _info.num_cores, _info.num_subcores
_NW = _NC * _NS
_BPW = BATCH // _NW
_HALF = _BPW // 2


def _make_kernel():
    mesh = plsc.VectorSubcoreMesh(core_axis_name="c", subcore_axis_name="s")

    @functools.partial(
        pl.kernel,
        mesh=mesh,
        out_type=jax.ShapeDtypeStruct((BATCH,), jnp.float32),
        scratch_types=[
            pltpu.VMEM((_BPW,), jnp.int32),
            pltpu.VMEM((_BPW,), jnp.int32),
            pltpu.VMEM((_BPW,), jnp.int32),
            pltpu.VMEM((_BPW, HIDDEN), jnp.float32),
            pltpu.VMEM((_BPW, HIDDEN), jnp.float32),
            pltpu.VMEM((_BPW,), jnp.float32),
            pltpu.VMEM((16 * 48,), jnp.float32),
            pltpu.SemaphoreType.DMA,
            pltpu.SemaphoreType.DMA,
            pltpu.SemaphoreType.DMA,
        ],
    )
    def transe(ent_hbm, rel_hbm, heads_hbm, rels_hbm, tails_hbm, out_hbm,
               hidx, ridx, tidx, hbuf, tbuf, scores, w, sem_h, sem_r, sem_t):
        wid = lax.axis_index("s") * _NC + lax.axis_index("c")
        base = wid * _BPW

        ci_h = pltpu.async_copy(heads_hbm.at[pl.ds(base, _BPW)], hidx, sem_h)
        ci_r = pltpu.async_copy(rels_hbm.at[pl.ds(base, _BPW)], ridx, sem_r)
        ci_t = pltpu.async_copy(tails_hbm.at[pl.ds(base, _BPW)], tidx, sem_t)
        ci_h.wait()
        ci_r.wait()
        ci_t.wait()

        cp_h = pltpu.async_copy(ent_hbm.at[hidx], hbuf, sem_h)
        cp_t = pltpu.async_copy(ent_hbm.at[tidx], tbuf, sem_t)
        cp_h.wait()
        cp_r = pltpu.async_copy(rel_hbm.at[ridx], hbuf, sem_r, add=True)
        cp_r.wait()
        cp_t.wait()

        lane = lax.iota(jnp.int32, 16)

        def gbody(g, _):
            def jbody(q, res):
                for u in range(2):
                    j = q * 2 + u
                    b = g * 16 + j
                    acc = jnp.zeros((16,), jnp.float32)
                    for c in range(HIDDEN // 16):
                        hv = hbuf[b, pl.ds(c * 16, 16)]
                        tv = tbuf[b, pl.ds(c * 16, 16)]
                        acc = acc + jnp.abs(hv - tv)
                    p = j * 48 + 16
                    w[pl.ds(p, 16)] = acc
                    r1 = acc + w[pl.ds(p + 8, 16)]
                    w[pl.ds(p, 16)] = r1
                    r2 = r1 + w[pl.ds(p + 4, 16)]
                    w[pl.ds(p, 16)] = r2
                    r3 = r2 + w[pl.ds(p + 2, 16)]
                    w[pl.ds(p, 16)] = r3
                    r4 = r3 + w[pl.ds(p + 1, 16)]
                    w[pl.ds(p, 16)] = r4
                    f = w[pl.ds(p - j, 16)]
                    res = jnp.where(lane == j, f, res)
                return res

            res = lax.fori_loop(0, 8, jbody, jnp.zeros((16,), jnp.float32))
            scores[pl.ds(g * 16, 16)] = GAMMA - res
            return 0

        lax.fori_loop(0, _BPW // 16, gbody, 0)

        pltpu.sync_copy(scores, out_hbm.at[pl.ds(base, _BPW)])

    return transe


_transe = _make_kernel()


def kernel(sample, entity_embedding, relation_embedding):
    heads = sample[:, 0]
    rels = sample[:, 1]
    tails = sample[:, 2]
    scores = _transe(entity_embedding, relation_embedding, heads, rels, tails)
    return scores[:, None]

# --- scband reference (transcript-rebuilt; emitter-appended) ---
"""Pipeline reference for scband-kgemodel-16389595202150 (READ-ONLY COPY).

The authoritative reference and input builder live on the scoring server;
editing this copy changes nothing except your own understanding.
"""

import jax, jax.numpy as jnp
import numpy as np

NENTITY = 1000000
NRELATION = 1000
HIDDEN = 128
GAMMA = 12.0
EPSILON = 2.0
EMBEDDING_RANGE = (GAMMA + EPSILON) / HIDDEN
BATCH = 4096


def setup_inputs(seed: int = 0) -> dict:
    key = jax.random.key(seed)
    k1, k2, k3 = jax.random.split(key, 3)
    # sample: triples (head, relation, tail); fill=randint with fill_max=1000
    sample = jax.random.randint(k1, (BATCH, 3), 0, NRELATION, dtype=jnp.int32)
    # learned parameters, initialized uniform in [-embedding_range, embedding_range]
    entity_embedding = jax.random.uniform(
        k2, (NENTITY, HIDDEN), minval=-EMBEDDING_RANGE, maxval=EMBEDDING_RANGE, dtype=jnp.float32)
    relation_embedding = jax.random.uniform(
        k3, (NRELATION, HIDDEN), minval=-EMBEDDING_RANGE, maxval=EMBEDDING_RANGE, dtype=jnp.float32)
    return {
        "sample": sample,
        "entity_embedding": entity_embedding,
        "relation_embedding": relation_embedding,
    }


def reference(sample, entity_embedding, relation_embedding):
    # mode == 'train' path of KGEModel.forward, model_name == 'TransE'
    head = jnp.take(entity_embedding, sample[:, 0], axis=0)[:, None, :]
    relation = jnp.take(relation_embedding, sample[:, 1], axis=0)[:, None, :]
    tail = jnp.take(entity_embedding, sample[:, 2], axis=0)[:, None, :]
    # TransE score: gamma - ||h + r - t||_1 along dim 2
    score = GAMMA - jnp.sum(jnp.abs(head + relation - tail), axis=2)
    return score  # shape [BATCH, 1]

if __name__ == "__main__":
    import jax
    _d = setup_inputs()
    print(jax.jit(kernel)(*tuple(_d.values())))

</pallas_src>

<mosaic_0001>
#map = affine_map<(d0, d1) -> (0, 0)>
#map1 = affine_map<(d0, d1) -> (0)>
module attributes {stable_mosaic.version = 14 : i64} {
  func.func @transe(%arg0: i32, %arg1: i32, %arg2: memref<1000000x128xf32, #tpu.memory_space<hbm>>, %arg3: memref<1000x128xf32, #tpu.memory_space<hbm>>, %arg4: memref<4096xi32, #tpu.memory_space<hbm>>, %arg5: memref<4096xi32, #tpu.memory_space<hbm>>, %arg6: memref<4096xi32, #tpu.memory_space<hbm>>, %arg7: memref<4096xf32, #tpu.memory_space<hbm>>, %arg8: memref<128xi32, #tpu.memory_space<vmem>>, %arg9: memref<128xi32, #tpu.memory_space<vmem>>, %arg10: memref<128xi32, #tpu.memory_space<vmem>>, %arg11: memref<128x128xf32, #tpu.memory_space<vmem>>, %arg12: memref<128x128xf32, #tpu.memory_space<vmem>>, %arg13: memref<128xf32, #tpu.memory_space<vmem>>, %arg14: memref<768xf32, #tpu.memory_space<vmem>>, %arg15: memref<!tpu.dma_semaphore, #tpu.memory_space<semaphore_mem>>, %arg16: memref<!tpu.dma_semaphore, #tpu.memory_space<semaphore_mem>>, %arg17: memref<!tpu.dma_semaphore, #tpu.memory_space<semaphore_mem>>) attributes {dimension_semantics = [#tpu.dimension_semantics<core_parallel>, #tpu.dimension_semantics<subcore_parallel>], iteration_bounds = array<i64: 2, 16>, scalar_prefetch = 0 : i64, scratch_operands = 10 : i64, tpu.core_type = #tpu.core_type<sc_vector_subcore>, window_params = [{transform_indices = #map}, {transform_indices = #map}, {transform_indices = #map1}, {transform_indices = #map1}, {transform_indices = #map1}, {transform_indices = #map1}]} {
    %mul3A = arith.constant 2 : i32
    %mul3A_0 = arith.muli %arg1, %mul3A : i32
    %add3A = arith.addi %mul3A_0, %arg0 : i32
    %mul3A_1 = arith.constant 128 : i32
    %mul3A_2 = arith.muli %add3A, %mul3A_1 : i32
    %dma_start3A = tpu.memref_slice %arg4[%mul3A_2] : memref<4096xi32, #tpu.memory_space<hbm>> -> memref<128xi32, #tpu.memory_space<hbm>>
    %dma_start3A_3 = tpu.memref_slice %arg4[%mul3A_2] : memref<4096xi32, #tpu.memory_space<hbm>> -> memref<128xi32, #tpu.memory_space<hbm>>
    tpu.enqueue_dma source(%dma_start3A_3 : memref<128xi32, #tpu.memory_space<hbm>>) target(%arg8 : memref<128xi32, #tpu.memory_space<vmem>>) target_semaphore(%arg15 : memref<!tpu.dma_semaphore, #tpu.memory_space<semaphore_mem>>)
    %dma_start3A_4 = tpu.memref_slice %arg5[%mul3A_2] : memref<4096xi32, #tpu.memory_space<hbm>> -> memref<128xi32, #tpu.memory_space<hbm>>
    %dma_start3A_5 = tpu.memref_slice %arg5[%mul3A_2] : memref<4096xi32, #tpu.memory_space<hbm>> -> memref<128xi32, #tpu.memory_space<hbm>>
    tpu.enqueue_dma source(%dma_start3A_5 : memref<128xi32, #tpu.memory_space<hbm>>) target(%arg9 : memref<128xi32, #tpu.memory_space<vmem>>) target_semaphore(%arg16 : memref<!tpu.dma_semaphore, #tpu.memory_space<semaphore_mem>>)
    %dma_start3A_6 = tpu.memref_slice %arg6[%mul3A_2] : memref<4096xi32, #tpu.memory_space<hbm>> -> memref<128xi32, #tpu.memory_space<hbm>>
    %dma_start3A_7 = tpu.memref_slice %arg6[%mul3A_2] : memref<4096xi32, #tpu.memory_space<hbm>> -> memref<128xi32, #tpu.memory_space<hbm>>
    tpu.enqueue_dma source(%dma_start3A_7 : memref<128xi32, #tpu.memory_space<hbm>>) target(%arg10 : memref<128xi32, #tpu.memory_space<vmem>>) target_semaphore(%arg17 : memref<!tpu.dma_semaphore, #tpu.memory_space<semaphore_mem>>)
    %dma_wait3A = tpu.memref_slice %arg4[%mul3A_2] : memref<4096xi32, #tpu.memory_space<hbm>> -> memref<128xi32, #tpu.memory_space<hbm>>
    %dma_wait3A_8 = tpu.memref_slice %arg4[%mul3A_2] : memref<4096xi32, #tpu.memory_space<hbm>> -> memref<128xi32, #tpu.memory_space<hbm>>
    tpu.wait_dma2 semaphore(%arg15 : memref<!tpu.dma_semaphore, #tpu.memory_space<semaphore_mem>>) src(%dma_wait3A_8 : memref<128xi32, #tpu.memory_space<hbm>>) dst(%arg8 : memref<128xi32, #tpu.memory_space<vmem>>)
    %dma_wait3A_9 = tpu.memref_slice %arg5[%mul3A_2] : memref<4096xi32, #tpu.memory_space<hbm>> -> memref<128xi32, #tpu.memory_space<hbm>>
    %dma_wait3A_10 = tpu.memref_slice %arg5[%mul3A_2] : memref<4096xi32, #tpu.memory_space<hbm>> -> memref<128xi32, #tpu.memory_space<hbm>>
    tpu.wait_dma2 semaphore(%arg16 : memref<!tpu.dma_semaphore, #tpu.memory_space<semaphore_mem>>) src(%dma_wait3A_10 : memref<128xi32, #tpu.memory_space<hbm>>) dst(%arg9 : memref<128xi32, #tpu.memory_space<vmem>>)
    %dma_wait3A_11 = tpu.memref_slice %arg6[%mul3A_2] : memref<4096xi32, #tpu.memory_space<hbm>> -> memref<128xi32, #tpu.memory_space<hbm>>
    %dma_wait3A_12 = tpu.memref_slice %arg6[%mul3A_2] : memref<4096xi32, #tpu.memory_space<hbm>> -> memref<128xi32, #tpu.memory_space<hbm>>
    tpu.wait_dma2 semaphore(%arg17 : memref<!tpu.dma_semaphore, #tpu.memory_space<semaphore_mem>>) src(%dma_wait3A_12 : memref<128xi32, #tpu.memory_space<hbm>>) dst(%arg10 : memref<128xi32, #tpu.memory_space<vmem>>)
    %dma_start3A_13 = arith.constant 0 : i32
    %dma_start3A_14 = arith.constant 0 : i32
    %dma_start3A_15 = tpu.memref_slice %arg2[%dma_start3A_13, %dma_start3A_14] : memref<1000000x128xf32, #tpu.memory_space<hbm>> -> memref<1000000x128xf32, #tpu.memory_space<hbm>>
    tpu.enqueue_indirect_dma source(%dma_start3A_15 : memref<1000000x128xf32, #tpu.memory_space<hbm>>) target(%arg11 : memref<128x128xf32, #tpu.memory_space<vmem>>) offsets(%arg8 : memref<128xi32, #tpu.memory_space<vmem>>) semaphore(%arg15 : memref<!tpu.dma_semaphore, #tpu.memory_space<semaphore_mem>>)
    %dma_start3A_16 = arith.constant 0 : i32
    %dma_start3A_17 = arith.constant 0 : i32
    %dma_start3A_18 = tpu.memref_slice %arg2[%dma_start3A_16, %dma_start3A_17] : memref<1000000x128xf32, #tpu.memory_space<hbm>> -> memref<1000000x128xf32, #tpu.memory_space<hbm>>
    tpu.enqueue_indirect_dma source(%dma_start3A_18 : memref<1000000x128xf32, #tpu.memory_space<hbm>>) target(%arg12 : memref<128x128xf32, #tpu.memory_space<vmem>>) offsets(%arg10 : memref<128xi32, #tpu.memory_space<vmem>>) semaphore(%arg17 : memref<!tpu.dma_semaphore, #tpu.memory_space<semaphore_mem>>)
    %dma_wait3A_19 = arith.constant 0 : i32
    %dma_wait3A_20 = arith.constant 0 : i32
    %dma_wait3A_21 = tpu.memref_slice %arg2[%dma_wait3A_19, %dma_wait3A_20] : memref<1000000x128xf32, #tpu.memory_space<hbm>> -> memref<1000000x128xf32, #tpu.memory_space<hbm>>
    tpu.wait_indirect_dma semaphore(%arg15 : memref<!tpu.dma_semaphore, #tpu.memory_space<semaphore_mem>>) src(%dma_wait3A_21 : memref<1000000x128xf32, #tpu.memory_space<hbm>>) dst(%arg11 : memref<128x128xf32, #tpu.memory_space<vmem>>)
    %dma_start3A_22 = arith.constant 0 : i32
    %dma_start3A_23 = arith.constant 0 : i32
    %dma_start3A_24 = tpu.memref_slice %arg3[%dma_start3A_22, %dma_start3A_23] : memref<1000x128xf32, #tpu.memory_space<hbm>> -> memref<1000x128xf32, #tpu.memory_space<hbm>>
    tpu.enqueue_indirect_dma source(%dma_start3A_24 : memref<1000x128xf32, #tpu.memory_space<hbm>>) target(%arg11 : memref<128x128xf32, #tpu.memory_space<vmem>>) offsets(%arg9 : memref<128xi32, #tpu.memory_space<vmem>>) semaphore(%arg16 : memref<!tpu.dma_semaphore, #tpu.memory_space<semaphore_mem>>) {add = true}
    %dma_wait3A_25 = arith.constant 0 : i32
    %dma_wait3A_26 = arith.constant 0 : i32
    %dma_wait3A_27 = tpu.memref_slice %arg3[%dma_wait3A_25, %dma_wait3A_26] : memref<1000x128xf32, #tpu.memory_space<hbm>> -> memref<1000x128xf32, #tpu.memory_space<hbm>>
    tpu.wait_indirect_dma semaphore(%arg16 : memref<!tpu.dma_semaphore, #tpu.memory_space<semaphore_mem>>) src(%dma_wait3A_27 : memref<1000x128xf32, #tpu.memory_space<hbm>>) dst(%arg11 : memref<128x128xf32, #tpu.memory_space<vmem>>)
    %dma_wait3A_28 = arith.constant 0 : i32
    %dma_wait3A_29 = arith.constant 0 : i32
    %dma_wait3A_30 = tpu.memref_slice %arg2[%dma_wait3A_28, %dma_wait3A_29] : memref<1000000x128xf32, #tpu.memory_space<hbm>> -> memref<1000000x128xf32, #tpu.memory_space<hbm>>
    tpu.wait_indirect_dma semaphore(%arg17 : memref<!tpu.dma_semaphore, #tpu.memory_space<semaphore_mem>>) src(%dma_wait3A_30 : memref<1000000x128xf32, #tpu.memory_space<hbm>>) dst(%arg12 : memref<128x128xf32, #tpu.memory_space<vmem>>)
    %iota3A = tpu.iota {dimensions = array<i32: 0>} : vector<16xi32>
    %scan3A = arith.constant 0 : i32
    %scan3A_31 = arith.constant 0 : i32
    %scan3A_32 = arith.constant 8 : i32
    %scan3A_33 = arith.addi %scan3A_31, %scan3A_32 : i32
    %scan3A_34 = arith.constant 1 : i32
    %scan3A_35 = scf.for %scan3A_37 = %scan3A_31 to %scan3A_33 step %scan3A_34 iter_args(%scan3A_38 = %scan3A) -> (i32)  : i32 {
      %broadcast_in_dim3A = arith.constant 0.000000e+00 : f32
      %broadcast_in_dim3A_39 = vector.broadcast %broadcast_in_dim3A : f32 to vector<16xf32>
      %scan3A_40 = arith.constant 0 : i32
      %scan3A_41 = arith.constant 8 : i32
      %scan3A_42 = arith.addi %scan3A_40, %scan3A_41 : i32
      %scan3A_43 = arith.constant 1 : i32
      %scan3A_44 = scf.for %scan3A_54 = %scan3A_40 to %scan3A_42 step %scan3A_43 iter_args(%scan3A_55 = %broadcast_in_dim3A_39) -> (vector<16xf32>)  : i32 {
        %mul3A_56 = arith.constant 2 : i32
        %mul3A_57 = arith.muli %scan3A_54, %mul3A_56 : i32
        %add3A_58 = arith.constant 0 : i32
        %add3A_59 = arith.addi %mul3A_57, %add3A_58 : i32
        %mul3A_60 = arith.constant 16 : i32
        %mul3A_61 = arith.muli %scan3A_37, %mul3A_60 : i32
        %add3A_62 = arith.addi %mul3A_61, %add3A_59 : i32
        %broadcast_in_dim3A_63 = arith.constant 0.000000e+00 : f32
        %broadcast_in_dim3A_64 = vector.broadcast %broadcast_in_dim3A_63 : f32 to vector<16xf32>
        %get3A = arith.index_cast %add3A_62 : i32 to index
        %get3A_65 = arith.constant 0 : index
        %get3A_66 = tpu.vector_load %arg11[%get3A, %get3A_65] {strides = array<i32>} : memref<128x128xf32, #tpu.memory_space<vmem>>, vector<1x16xf32>,
        %get3A_67 = vector.shape_cast %get3A_66 : vector<1x16xf32> to vector<16xf32>
        %get3A_68 = arith.index_cast %add3A_62 : i32 to index
        %get3A_69 = arith.constant 0 : index
        %get3A_70 = tpu.vector_load %arg12[%get3A_68, %get3A_69] {strides = array<i32>} : memref<128x128xf32, #tpu.memory_space<vmem>>, vector<1x16xf32>,
        %get3A_71 = vector.shape_cast %get3A_70 : vector<1x16xf32> to vector<16xf32>
        %sub3A_72 = arith.subf %get3A_67, %get3A_71 : vector<16xf32>
        %abs3A = math.absf %sub3A_72 : vector<16xf32>
        %add3A_73 = arith.addf %broadcast_in_dim3A_64, %abs3A : vector<16xf32>
        %get3A_74 = arith.index_cast %add3A_62 : i32 to index
        %get3A_75 = arith.constant 16 : index
        %get3A_76 = tpu.vector_load %arg11[%get3A_74, %get3A_75] {strides = array<i32>} : memref<128x128xf32, #tpu.memory_space<vmem>>, vector<1x16xf32>,
        %get3A_77 = vector.shape_cast %get3A_76 : vector<1x16xf32> to vector<16xf32>
        %get3A_78 = arith.index_cast %add3A_62 : i32 to index
        %get3A_79 = arith.constant 16 : index
        %get3A_80 = tpu.vector_load %arg12[%get3A_78, %get3A_79] {strides = array<i32>} : memref<128x128xf32, #tpu.memory_space<vmem>>, vector<1x16xf32>,
        %get3A_81 = vector.shape_cast %get3A_80 : vector<1x16xf32> to vector<16xf32>
        %sub3A_82 = arith.subf %get3A_77, %get3A_81 : vector<16xf32>
        %abs3A_83 = math.absf %sub3A_82 : vector<16xf32>
        %add3A_84 = arith.addf %add3A_73, %abs3A_83 : vector<16xf32>
        %get3A_85 = arith.index_cast %add3A_62 : i32 to index
        %get3A_86 = arith.constant 32 : index
        %get3A_87 = tpu.vector_load %arg11[%get3A_85, %get3A_86] {strides = array<i32>} : memref<128x128xf32, #tpu.memory_space<vmem>>, vector<1x16xf32>,
        %get3A_88 = vector.shape_cast %get3A_87 : vector<1x16xf32> to vector<16xf32>
        %get3A_89 = arith.index_cast %add3A_62 : i32 to index
        %get3A_90 = arith.constant 32 : index
        %get3A_91 = tpu.vector_load %arg12[%get3A_89, %get3A_90] {strides = array<i32>} : memref<128x128xf32, #tpu.memory_space<vmem>>, vector<1x16xf32>,
        %get3A_92 = vector.shape_cast %get3A_91 : vector<1x16xf32> to vector<16xf32>
        %sub3A_93 = arith.subf %get3A_88, %get3A_92 : vector<16xf32>
        %abs3A_94 = math.absf %sub3A_93 : vector<16xf32>
        %add3A_95 = arith.addf %add3A_84, %abs3A_94 : vector<16xf32>
        %get3A_96 = arith.index_cast %add3A_62 : i32 to index
        %get3A_97 = arith.constant 48 : index
        %get3A_98 = tpu.vector_load %arg11[%get3A_96, %get3A_97] {strides = array<i32>} : memref<128x128xf32, #tpu.memory_space<vmem>>, vector<1x16xf32>,
        %get3A_99 = vector.shape_cast %get3A_98 : vector<1x16xf32> to vector<16xf32>
        %get3A_100 = arith.index_cast %add3A_62 : i32 to index
        %get3A_101 = arith.constant 48 : index
        %get3A_102 = tpu.vector_load %arg12[%get3A_100, %get3A_101] {strides = array<i32>} : memref<128x128xf32, #tpu.memory_space<vmem>>, vector<1x16xf32>,
        %get3A_103 = vector.shape_cast %get3A_102 : vector<1x16xf32> to vector<16xf32>
        %sub3A_104 = arith.subf %get3A_99, %get3A_103 : vector<16xf32>
        %abs3A_105 = math.absf %sub3A_104 : vector<16xf32>
        %add3A_106 = arith.addf %add3A_95, %abs3A_105 : vector<16xf32>
        %get3A_107 = arith.index_cast %add3A_62 : i32 to index
        %get3A_108 = arith.constant 64 : index
        %get3A_109 = tpu.vector_load %arg11[%get3A_107, %get3A_108] {strides = array<i32>} : memref<128x128xf32, #tpu.memory_space<vmem>>, vector<1x16xf32>,
        %get3A_110 = vector.shape_cast %get3A_109 : vector<1x16xf32> to vector<16xf32>
        %get3A_111 = arith.index_cast %add3A_62 : i32 to index
        %get3A_112 = arith.constant 64 : index
        %get3A_113 = tpu.vector_load %arg12[%get3A_111, %get3A_112] {strides = array<i32>} : memref<128x128xf32, #tpu.memory_space<vmem>>, vector<1x16xf32>,
        %get3A_114 = vector.shape_cast %get3A_113 : vector<1x16xf32> to vector<16xf32>
        %sub3A_115 = arith.subf %get3A_110, %get3A_114 : vector<16xf32>
        %abs3A_116 = math.absf %sub3A_115 : vector<16xf32>
        %add3A_117 = arith.addf %add3A_106, %abs3A_116 : vector<16xf32>
        %get3A_118 = arith.index_cast %add3A_62 : i32 to index
        %get3A_119 = arith.constant 80 : index
        %get3A_120 = tpu.vector_load %arg11[%get3A_118, %get3A_119] {strides = array<i32>} : memref<128x128xf32, #tpu.memory_space<vmem>>, vector<1x16xf32>,
        %get3A_121 = vector.shape_cast %get3A_120 : vector<1x16xf32> to vector<16xf32>
        %get3A_122 = arith.index_cast %add3A_62 : i32 to index
        %get3A_123 = arith.constant 80 : index
        %get3A_124 = tpu.vector_load %arg12[%get3A_122, %get3A_123] {strides = array<i32>} : memref<128x128xf32, #tpu.memory_space<vmem>>, vector<1x16xf32>,
        %get3A_125 = vector.shape_cast %get3A_124 : vector<1x16xf32> to vector<16xf32>
        %sub3A_126 = arith.subf %get3A_121, %get3A_125 : vector<16xf32>
        %abs3A_127 = math.absf %sub3A_126 : vector<16xf32>
        %add3A_128 = arith.addf %add3A_117, %abs3A_127 : vector<16xf32>
        %get3A_129 = arith.index_cast %add3A_62 : i32 to index
        %get3A_130 = arith.constant 96 : index
        %get3A_131 = tpu.vector_load %arg11[%get3A_129, %get3A_130] {strides = array<i32>} : memref<128x128xf32, #tpu.memory_space<vmem>>, vector<1x16xf32>,
        %get3A_132 = vector.shape_cast %get3A_131 : vector<1x16xf32> to vector<16xf32>
        %get3A_133 = arith.index_cast %add3A_62 : i32 to index
        %get3A_134 = arith.constant 96 : index
        %get3A_135 = tpu.vector_load %arg12[%get3A_133, %get3A_134] {strides = array<i32>} : memref<128x128xf32, #tpu.memory_space<vmem>>, vector<1x16xf32>,
        %get3A_136 = vector.shape_cast %get3A_135 : vector<1x16xf32> to vector<16xf32>
        %sub3A_137 = arith.subf %get3A_132, %get3A_136 : vector<16xf32>
        %abs3A_138 = math.absf %sub3A_137 : vector<16xf32>
        %add3A_139 = arith.addf %add3A_128, %abs3A_138 : vector<16xf32>
        %get3A_140 = arith.index_cast %add3A_62 : i32 to index
        %get3A_141 = arith.constant 112 : index
        %get3A_142 = tpu.vector_load %arg11[%get3A_140, %get3A_141] {strides = array<i32>} : memref<128x128xf32, #tpu.memory_space<vmem>>, vector<1x16xf32>,
        %get3A_143 = vector.shape_cast %get3A_142 : vector<1x16xf32> to vector<16xf32>
        %get3A_144 = arith.index_cast %add3A_62 : i32 to index
        %get3A_145 = arith.constant 112 : index
        %get3A_146 = tpu.vector_load %arg12[%get3A_144, %get3A_145] {strides = array<i32>} : memref<128x128xf32, #tpu.memory_space<vmem>>, vector<1x16xf32>,
        %get3A_147 = vector.shape_cast %get3A_146 : vector<1x16xf32> to vector<16xf32>
        %sub3A_148 = arith.subf %get3A_143, %get3A_147 : vector<16xf32>
        %abs3A_149 = math.absf %sub3A_148 : vector<16xf32>
        %add3A_150 = arith.addf %add3A_139, %abs3A_149 : vector<16xf32>
        %mul3A_151 = arith.constant 48 : i32
        %mul3A_152 = arith.muli %add3A_59, %mul3A_151 : i32
        %add3A_153 = arith.constant 16 : i32
        %add3A_154 = arith.addi %mul3A_152, %add3A_153 : i32
        %swap3A_155 = arith.index_cast %add3A_154 : i32 to index
        %swap3A_156 = tpu.vector_load %arg14[%swap3A_155] {strides = array<i32>} : memref<768xf32, #tpu.memory_space<vmem>>, vector<16xf32>,
        %swap3A_157 = vector.shape_cast %swap3A_156 : vector<16xf32> to vector<16xf32>
        %swap3A_158 = vector.shape_cast %add3A_150 : vector<16xf32> to vector<16xf32>
        tpu.vector_store %arg14[%swap3A_155], %swap3A_158 {strides = array<i32>} : memref<768xf32, #tpu.memory_space<vmem>>, vector<16xf32>,
        %add3A_159 = arith.constant 8 : i32
        %add3A_160 = arith.addi %add3A_154, %add3A_159 : i32
        %get3A_161 = arith.index_cast %add3A_160 : i32 to index
        %get3A_162 = tpu.vector_load %arg14[%get3A_161] {strides = array<i32>} : memref<768xf32, #tpu.memory_space<vmem>>, vector<16xf32>,
        %get3A_163 = vector.shape_cast %get3A_162 : vector<16xf32> to vector<16xf32>
        %add3A_164 = arith.addf %add3A_150, %get3A_163 : vector<16xf32>
        %swap3A_165 = arith.index_cast %add3A_154 : i32 to index
        %swap3A_166 = tpu.vector_load %arg14[%swap3A_165] {strides = array<i32>} : memref<768xf32, #tpu.memory_space<vmem>>, vector<16xf32>,
        %swap3A_167 = vector.shape_cast %swap3A_166 : vector<16xf32> to vector<16xf32>
        %swap3A_168 = vector.shape_cast %add3A_164 : vector<16xf32> to vector<16xf32>
        tpu.vector_store %arg14[%swap3A_165], %swap3A_168 {strides = array<i32>} : memref<768xf32, #tpu.memory_space<vmem>>, vector<16xf32>,
        %add3A_169 = arith.constant 4 : i32
        %add3A_170 = arith.addi %add3A_154, %add3A_169 : i32
        %get3A_171 = arith.index_cast %add3A_170 : i32 to index
        %get3A_172 = tpu.vector_load %arg14[%get3A_171] {strides = array<i32>} : memref<768xf32, #tpu.memory_space<vmem>>, vector<16xf32>,
        %get3A_173 = vector.shape_cast %get3A_172 : vector<16xf32> to vector<16xf32>
        %add3A_174 = arith.addf %add3A_164, %get3A_173 : vector<16xf32>
        %swap3A_175 = arith.index_cast %add3A_154 : i32 to index
        %swap3A_176 = tpu.vector_load %arg14[%swap3A_175] {strides = array<i32>} : memref<768xf32, #tpu.memory_space<vmem>>, vector<16xf32>,
        %swap3A_177 = vector.shape_cast %swap3A_176 : vector<16xf32> to vector<16xf32>
        %swap3A_178 = vector.shape_cast %add3A_174 : vector<16xf32> to vector<16xf32>
        tpu.vector_store %arg14[%swap3A_175], %swap3A_178 {strides = array<i32>} : memref<768xf32, #tpu.memory_space<vmem>>, vector<16xf32>,
        %add3A_179 = arith.constant 2 : i32
        %add3A_180 = arith.addi %add3A_154, %add3A_179 : i32
        %get3A_181 = arith.index_cast %add3A_180 : i32 to index
        %get3A_182 = tpu.vector_load %arg14[%get3A_181] {strides = array<i32>} : memref<768xf32, #tpu.memory_space<vmem>>, vector<16xf32>,
        %get3A_183 = vector.shape_cast %get3A_182 : vector<16xf32> to vector<16xf32>
        %add3A_184 = arith.addf %add3A_174, %get3A_183 : vector<16xf32>
        %swap3A_185 = arith.index_cast %add3A_154 : i32 to index
        %swap3A_186 = tpu.vector_load %arg14[%swap3A_185] {strides = array<i32>} : memref<768xf32, #tpu.memory_space<vmem>>, vector<16xf32>,
        %swap3A_187 = vector.shape_cast %swap3A_186 : vector<16xf32> to vector<16xf32>
        %swap3A_188 = vector.shape_cast %add3A_184 : vector<16xf32> to vector<16xf32>
        tpu.vector_store %arg14[%swap3A_185], %swap3A_188 {strides = array<i32>} : memref<768xf32, #tpu.memory_space<vmem>>, vector<16xf32>,
        %add3A_189 = arith.constant 1 : i32
        %add3A_190 = arith.addi %add3A_154, %add3A_189 : i32
        %get3A_191 = arith.index_cast %add3A_190 : i32 to index
        %get3A_192 = tpu.vector_load %arg14[%get3A_191] {strides = array<i32>} : memref<768xf32, #tpu.memory_space<vmem>>, vector<16xf32>,
        %get3A_193 = vector.shape_cast %get3A_192 : vector<16xf32> to vector<16xf32>
        %add3A_194 = arith.addf %add3A_184, %get3A_193 : vector<16xf32>
        %swap3A_195 = arith.index_cast %add3A_154 : i32 to index
        %swap3A_196 = tpu.vector_load %arg14[%swap3A_195] {strides = array<i32>} : memref<768xf32, #tpu.memory_space<vmem>>, vector<16xf32>,
        %swap3A_197 = vector.shape_cast %swap3A_196 : vector<16xf32> to vector<16xf32>
        %swap3A_198 = vector.shape_cast %add3A_194 : vector<16xf32> to vector<16xf32>
        tpu.vector_store %arg14[%swap3A_195], %swap3A_198 {strides = array<i32>} : memref<768xf32, #tpu.memory_space<vmem>>, vector<16xf32>,
        %sub3A_199 = arith.subi %add3A_154, %add3A_59 : i32
        %get3A_200 = arith.index_cast %sub3A_199 : i32 to index
        %get3A_201 = tpu.vector_load %arg14[%get3A_200] {strides = array<i32>} : memref<768xf32, #tpu.memory_space<vmem>>, vector<16xf32>,
        %get3A_202 = vector.shape_cast %get3A_201 : vector<16xf32> to vector<16xf32>
        %eq3A = vector.broadcast %add3A_59 : i32 to vector<16xi32>
        %eq3A_203 = arith.cmpi eq, %iota3A, %eq3A : vector<16xi32>
        %select_n3A = arith.select %eq3A_203, %get3A_202, %scan3A_55 : vector<16xi1>, vector<16xf32>
        %mul3A_204 = arith.constant 2 : i32
        %mul3A_205 = arith.muli %scan3A_54, %mul3A_204 : i32
        %add3A_206 = arith.constant 1 : i32
        %add3A_207 = arith.addi %mul3A_205, %add3A_206 : i32
        %mul3A_208 = arith.constant 16 : i32
        %mul3A_209 = arith.muli %scan3A_37, %mul3A_208 : i32
        %add3A_210 = arith.addi %mul3A_209, %add3A_207 : i32
        %broadcast_in_dim3A_211 = arith.constant 0.000000e+00 : f32
        %broadcast_in_dim3A_212 = vector.broadcast %broadcast_in_dim3A_211 : f32 to vector<16xf32>
        %get3A_213 = arith.index_cast %add3A_210 : i32 to index
        %get3A_214 = arith.constant 0 : index
        %get3A_215 = tpu.vector_load %arg11[%get3A_213, %get3A_214] {strides = array<i32>} : memref<128x128xf32, #tpu.memory_space<vmem>>, vector<1x16xf32>,
        %get3A_216 = vector.shape_cast %get3A_215 : vector<1x16xf32> to vector<16xf32>
        %get3A_217 = arith.index_cast %add3A_210 : i32 to index
        %get3A_218 = arith.constant 0 : index
        %get3A_219 = tpu.vector_load %arg12[%get3A_217, %get3A_218] {strides = array<i32>} : memref<128x128xf32, #tpu.memory_space<vmem>>, vector<1x16xf32>,
        %get3A_220 = vector.shape_cast %get3A_219 : vector<1x16xf32> to vector<16xf32>
        %sub3A_221 = arith.subf %get3A_216, %get3A_220 : vector<16xf32>
        %abs3A_222 = math.absf %sub3A_221 : vector<16xf32>
        %add3A_223 = arith.addf %broadcast_in_dim3A_212, %abs3A_222 : vector<16xf32>
        %get3A_224 = arith.index_cast %add3A_210 : i32 to index
        %get3A_225 = arith.constant 16 : index
        %get3A_226 = tpu.vector_load %arg11[%get3A_224, %get3A_225] {strides = array<i32>} : memref<128x128xf32, #tpu.memory_space<vmem>>, vector<1x16xf32>,
        %get3A_227 = vector.shape_cast %get3A_226 : vector<1x16xf32> to vector<16xf32>
        %get3A_228 = arith.index_cast %add3A_210 : i32 to index
        %get3A_229 = arith.constant 16 : index
        %get3A_230 = tpu.vector_load %arg12[%get3A_228, %get3A_229] {strides = array<i32>} : memref<128x128xf32, #tpu.memory_space<vmem>>, vector<1x16xf32>,
        %get3A_231 = vector.shape_cast %get3A_230 : vector<1x16xf32> to vector<16xf32>
        %sub3A_232 = arith.subf %get3A_227, %get3A_231 : vector<16xf32>
        %abs3A_233 = math.absf %sub3A_232 : vector<16xf32>
        %add3A_234 = arith.addf %add3A_223, %abs3A_233 : vector<16xf32>
        %get3A_235 = arith.index_cast %add3A_210 : i32 to index
        %get3A_236 = arith.constant 32 : index
        %get3A_237 = tpu.vector_load %arg11[%get3A_235, %get3A_236] {strides = array<i32>} : memref<128x128xf32, #tpu.memory_space<vmem>>, vector<1x16xf32>,
        %get3A_238 = vector.shape_cast %get3A_237 : vector<1x16xf32> to vector<16xf32>
        %get3A_239 = arith.index_cast %add3A_210 : i32 to index
        %get3A_240 = arith.constant 32 : index
        %get3A_241 = tpu.vector_load %arg12[%get3A_239, %get3A_240] {strides = array<i32>} : memref<128x128xf32, #tpu.memory_space<vmem>>, vector<1x16xf32>,
        %get3A_242 = vector.shape_cast %get3A_241 : vector<1x16xf32> to vector<16xf32>
        %sub3A_243 = arith.subf %get3A_238, %get3A_242 : vector<16xf32>
        %abs3A_244 = math.absf %sub3A_243 : vector<16xf32>
        %add3A_245 = arith.addf %add3A_234, %abs3A_244 : vector<16xf32>
        %get3A_246 = arith.index_cast %add3A_210 : i32 to index
        %get3A_247 = arith.constant 48 : index
        %get3A_248 = tpu.vector_load %arg11[%get3A_246, %get3A_247] {strides = array<i32>} : memref<128x128xf32, #tpu.memory_space<vmem>>, vector<1x16xf32>,
        %get3A_249 = vector.shape_cast %get3A_248 : vector<1x16xf32> to vector<16xf32>
        %get3A_250 = arith.index_cast %add3A_210 : i32 to index
        %get3A_251 = arith.constant 48 : index
        %get3A_252 = tpu.vector_load %arg12[%get3A_250, %get3A_251] {strides = array<i32>} : memref<128x128xf32, #tpu.memory_space<vmem>>, vector<1x16xf32>,
        %get3A_253 = vector.shape_cast %get3A_252 : vector<1x16xf32> to vector<16xf32>
        %sub3A_254 = arith.subf %get3A_249, %get3A_253 : vector<16xf32>
        %abs3A_255 = math.absf %sub3A_254 : vector<16xf32>
        %add3A_256 = arith.addf %add3A_245, %abs3A_255 : vector<16xf32>
        %get3A_257 = arith.index_cast %add3A_210 : i32 to index
        %get3A_258 = arith.constant 64 : index
        %get3A_259 = tpu.vector_load %arg11[%get3A_257, %get3A_258] {strides = array<i32>} : memref<128x128xf32, #tpu.memory_space<vmem>>, vector<1x16xf32>,
        %get3A_260 = vector.shape_cast %get3A_259 : vector<1x16xf32> to vector<16xf32>
        %get3A_261 = arith.index_cast %add3A_210 : i32 to index
        %get3A_262 = arith.constant 64 : index
        %get3A_263 = tpu.vector_load %arg12[%get3A_261, %get3A_262] {strides = array<i32>} : memref<128x128xf32, #tpu.memory_space<vmem>>, vector<1x16xf32>,
        %get3A_264 = vector.shape_cast %get3A_263 : vector<1x16xf32> to vector<16xf32>
        %sub3A_265 = arith.subf %get3A_260, %get3A_264 : vector<16xf32>
        %abs3A_266 = math.absf %sub3A_265 : vector<16xf32>
        %add3A_267 = arith.addf %add3A_256, %abs3A_266 : vector<16xf32>
        %get3A_268 = arith.index_cast %add3A_210 : i32 to index
        %get3A_269 = arith.constant 80 : index
        %get3A_270 = tpu.vector_load %arg11[%get3A_268, %get3A_269] {strides = array<i32>} : memref<128x128xf32, #tpu.memory_space<vmem>>, vector<1x16xf32>,
        %get3A_271 = vector.shape_cast %get3A_270 : vector<1x16xf32> to vector<16xf32>
        %get3A_272 = arith.index_cast %add3A_210 : i32 to index
        %get3A_273 = arith.constant 80 : index
        %get3A_274 = tpu.vector_load %arg12[%get3A_272, %get3A_273] {strides = array<i32>} : memref<128x128xf32, #tpu.memory_space<vmem>>, vector<1x16xf32>,
        %get3A_275 = vector.shape_cast %get3A_274 : vector<1x16xf32> to vector<16xf32>
        %sub3A_276 = arith.subf %get3A_271, %get3A_275 : vector<16xf32>
        %abs3A_277 = math.absf %sub3A_276 : vector<16xf32>
        %add3A_278 = arith.addf %add3A_267, %abs3A_277 : vector<16xf32>
        %get3A_279 = arith.index_cast %add3A_210 : i32 to index
        %get3A_280 = arith.constant 96 : index
        %get3A_281 = tpu.vector_load %arg11[%get3A_279, %get3A_280] {strides = array<i32>} : memref<128x128xf32, #tpu.memory_space<vmem>>, vector<1x16xf32>,
        %get3A_282 = vector.shape_cast %get3A_281 : vector<1x16xf32> to vector<16xf32>
        %get3A_283 = arith.index_cast %add3A_210 : i32 to index
        %get3A_284 = arith.constant 96 : index
        %get3A_285 = tpu.vector_load %arg12[%get3A_283, %get3A_284] {strides = array<i32>} : memref<128x128xf32, #tpu.memory_space<vmem>>, vector<1x16xf32>,
        %get3A_286 = vector.shape_cast %get3A_285 : vector<1x16xf32> to vector<16xf32>
        %sub3A_287 = arith.subf %get3A_282, %get3A_286 : vector<16xf32>
        %abs3A_288 = math.absf %sub3A_287 : vector<16xf32>
        %add3A_289 = arith.addf %add3A_278, %abs3A_288 : vector<16xf32>
        %get3A_290 = arith.index_cast %add3A_210 : i32 to index
        %get3A_291 = arith.constant 112 : index
        %get3A_292 = tpu.vector_load %arg11[%get3A_290, %get3A_291] {strides = array<i32>} : memref<128x128xf32, #tpu.memory_space<vmem>>, vector<1x16xf32>,
        %get3A_293 = vector.shape_cast %get3A_292 : vector<1x16xf32> to vector<16xf32>
        %get3A_294 = arith.index_cast %add3A_210 : i32 to index
        %get3A_295 = arith.constant 112 : index
        %get3A_296 = tpu.vector_load %arg12[%get3A_294, %get3A_295] {strides = array<i32>} : memref<128x128xf32, #tpu.memory_space<vmem>>, vector<1x16xf32>,
        %get3A_297 = vector.shape_cast %get3A_296 : vector<1x16xf32> to vector<16xf32>
        %sub3A_298 = arith.subf %get3A_293, %get3A_297 : vector<16xf32>
        %abs3A_299 = math.absf %sub3A_298 : vector<16xf32>
        %add3A_300 = arith.addf %add3A_289, %abs3A_299 : vector<16xf32>
        %mul3A_301 = arith.constant 48 : i32
        %mul3A_302 = arith.muli %add3A_207, %mul3A_301 : i32
        %add3A_303 = arith.constant 16 : i32
        %add3A_304 = arith.addi %mul3A_302, %add3A_303 : i32
        %swap3A_305 = arith.index_cast %add3A_304 : i32 to index
        %swap3A_306 = tpu.vector_load %arg14[%swap3A_305] {strides = array<i32>} : memref<768xf32, #tpu.memory_space<vmem>>, vector<16xf32>,
        %swap3A_307 = vector.shape_cast %swap3A_306 : vector<16xf32> to vector<16xf32>
        %swap3A_308 = vector.shape_cast %add3A_300 : vector<16xf32> to vector<16xf32>
        tpu.vector_store %arg14[%swap3A_305], %swap3A_308 {strides = array<i32>} : memref<768xf32, #tpu.memory_space<vmem>>, vector<16xf32>,
        %add3A_309 = arith.constant 8 : i32
        %add3A_310 = arith.addi %add3A_304, %add3A_309 : i32
        %get3A_311 = arith.index_cast %add3A_310 : i32 to index
        %get3A_312 = tpu.vector_load %arg14[%get3A_311] {strides = array<i32>} : memref<768xf32, #tpu.memory_space<vmem>>, vector<16xf32>,
        %get3A_313 = vector.shape_cast %get3A_312 : vector<16xf32> to vector<16xf32>
        %add3A_314 = arith.addf %add3A_300, %get3A_313 : vector<16xf32>
        %swap3A_315 = arith.index_cast %add3A_304 : i32 to index
        %swap3A_316 = tpu.vector_load %arg14[%swap3A_315] {strides = array<i32>} : memref<768xf32, #tpu.memory_space<vmem>>, vector<16xf32>,
        %swap3A_317 = vector.shape_cast %swap3A_316 : vector<16xf32> to vector<16xf32>
        %swap3A_318 = vector.shape_cast %add3A_314 : vector<16xf32> to vector<16xf32>
        tpu.vector_store %arg14[%swap3A_315], %swap3A_318 {strides = array<i32>} : memref<768xf32, #tpu.memory_space<vmem>>, vector<16xf32>,
        %add3A_319 = arith.constant 4 : i32
        %add3A_320 = arith.addi %add3A_304, %add3A_319 : i32
        %get3A_321 = arith.index_cast %add3A_320 : i32 to index
        %get3A_322 = tpu.vector_load %arg14[%get3A_321] {strides = array<i32>} : memref<768xf32, #tpu.memory_space<vmem>>, vector<16xf32>,
        %get3A_323 = vector.shape_cast %get3A_322 : vector<16xf32> to vector<16xf32>
        %add3A_324 = arith.addf %add3A_314, %get3A_323 : vector<16xf32>
        %swap3A_325 = arith.index_cast %add3A_304 : i32 to index
        %swap3A_326 = tpu.vector_load %arg14[%swap3A_325] {strides = array<i32>} : memref<768xf32, #tpu.memory_space<vmem>>, vector<16xf32>,
        %swap3A_327 = vector.shape_cast %swap3A_326 : vector<16xf32> to vector<16xf32>
        %swap3A_328 = vector.shape_cast %add3A_324 : vector<16xf32> to vector<16xf32>
        tpu.vector_store %arg14[%swap3A_325], %swap3A_328 {strides = array<i32>} : memref<768xf32, #tpu.memory_space<vmem>>, vector<16xf32>,
        %add3A_329 = arith.constant 2 : i32
        %add3A_330 = arith.addi %add3A_304, %add3A_329 : i32
        %get3A_331 = arith.index_cast %add3A_330 : i32 to index
        %get3A_332 = tpu.vector_load %arg14[%get3A_331] {strides = array<i32>} : memref<768xf32, #tpu.memory_space<vmem>>, vector<16xf32>,
        %get3A_333 = vector.shape_cast %get3A_332 : vector<16xf32> to vector<16xf32>
        %add3A_334 = arith.addf %add3A_324, %get3A_333 : vector<16xf32>
        %swap3A_335 = arith.index_cast %add3A_304 : i32 to index
        %swap3A_336 = tpu.vector_load %arg14[%swap3A_335] {strides = array<i32>} : memref<768xf32, #tpu.memory_space<vmem>>, vector<16xf32>,
        %swap3A_337 = vector.shape_cast %swap3A_336 : vector<16xf32> to vector<16xf32>
        %swap3A_338 = vector.shape_cast %add3A_334 : vector<16xf32> to vector<16xf32>
        tpu.vector_store %arg14[%swap3A_335], %swap3A_338 {strides = array<i32>} : memref<768xf32, #tpu.memory_space<vmem>>, vector<16xf32>,
        %add3A_339 = arith.constant 1 : i32
        %add3A_340 = arith.addi %add3A_304, %add3A_339 : i32
        %get3A_341 = arith.index_cast %add3A_340 : i32 to index
        %get3A_342 = tpu.vector_load %arg14[%get3A_341] {strides = array<i32>} : memref<768xf32, #tpu.memory_space<vmem>>, vector<16xf32>,
        %get3A_343 = vector.shape_cast %get3A_342 : vector<16xf32> to vector<16xf32>
        %add3A_344 = arith.addf %add3A_334, %get3A_343 : vector<16xf32>
        %swap3A_345 = arith.index_cast %add3A_304 : i32 to index
        %swap3A_346 = tpu.vector_load %arg14[%swap3A_345] {strides = array<i32>} : memref<768xf32, #tpu.memory_space<vmem>>, vector<16xf32>,
        %swap3A_347 = vector.shape_cast %swap3A_346 : vector<16xf32> to vector<16xf32>
        %swap3A_348 = vector.shape_cast %add3A_344 : vector<16xf32> to vector<16xf32>
        tpu.vector_store %arg14[%swap3A_345], %swap3A_348 {strides = array<i32>} : memref<768xf32, #tpu.memory_space<vmem>>, vector<16xf32>,
        %sub3A_349 = arith.subi %add3A_304, %add3A_207 : i32
        %get3A_350 = arith.index_cast %sub3A_349 : i32 to index
        %get3A_351 = tpu.vector_load %arg14[%get3A_350] {strides = array<i32>} : memref<768xf32, #tpu.memory_space<vmem>>, vector<16xf32>,
        %get3A_352 = vector.shape_cast %get3A_351 : vector<16xf32> to vector<16xf32>
        %eq3A_353 = vector.broadcast %add3A_207 : i32 to vector<16xi32>
        %eq3A_354 = arith.cmpi eq, %iota3A, %eq3A_353 : vector<16xi32>
        %select_n3A_355 = arith.select %eq3A_354, %get3A_352, %select_n3A : vector<16xi1>, vector<16xf32>
        scf.yield %select_n3A_355 : vector<16xf32>
      }
      %scan3A_45 = arith.constant 8 : i32
      %sub3A = arith.constant 1.200000e+01 : f32
      %sub3A_46 = vector.broadcast %sub3A : f32 to vector<16xf32>
      %sub3A_47 = arith.subf %sub3A_46, %scan3A_44 : vector<16xf32>
      %mul3A_48 = arith.constant 16 : i32
      %mul3A_49 = arith.muli %scan3A_37, %mul3A_48 : i32
      %swap3A = arith.index_cast %mul3A_49 : i32 to index
      %swap3A_50 = tpu.vector_load %arg13[%swap3A] {strides = array<i32>} : memref<128xf32, #tpu.memory_space<vmem>>, vector<16xf32>,
      %swap3A_51 = vector.shape_cast %swap3A_50 : vector<16xf32> to vector<16xf32>
      %swap3A_52 = vector.shape_cast %sub3A_47 : vector<16xf32> to vector<16xf32>
      tpu.vector_store %arg13[%swap3A], %swap3A_52 {strides = array<i32>} : memref<128xf32, #tpu.memory_space<vmem>>, vector<16xf32>,
      %scan3A_53 = arith.constant 0 : i32
      scf.yield %scan3A_53 : i32
    }
    %scan3A_36 = arith.constant 8 : i32
    "tpu.region"() ({
      %run_scoped3A = tpu.sem_alloc : memref<!tpu.dma_semaphore, #tpu.memory_space<semaphore_mem>>
      %dma_start3A_37 = tpu.memref_slice %arg7[%mul3A_2] : memref<4096xf32, #tpu.memory_space<hbm>> -> memref<128xf32, #tpu.memory_space<hbm>>
      %dma_start3A_38 = tpu.memref_slice %arg7[%mul3A_2] : memref<4096xf32, #tpu.memory_space<hbm>> -> memref<128xf32, #tpu.memory_space<hbm>>
      tpu.enqueue_dma source(%arg13 : memref<128xf32, #tpu.memory_space<vmem>>) target(%dma_start3A_38 : memref<128xf32, #tpu.memory_space<hbm>>) target_semaphore(%run_scoped3A : memref<!tpu.dma_semaphore, #tpu.memory_space<semaphore_mem>>)
      %dma_wait3A_39 = tpu.memref_slice %arg7[%mul3A_2] : memref<4096xf32, #tpu.memory_space<hbm>> -> memref<128xf32, #tpu.memory_space<hbm>>
      %dma_wait3A_40 = tpu.memref_slice %arg7[%mul3A_2] : memref<4096xf32, #tpu.memory_space<hbm>> -> memref<128xf32, #tpu.memory_space<hbm>>
      tpu.wait_dma2 semaphore(%run_scoped3A : memref<!tpu.dma_semaphore, #tpu.memory_space<semaphore_mem>>) src(%arg13 : memref<128xf32, #tpu.memory_space<vmem>>) dst(%dma_wait3A_40 : memref<128xf32, #tpu.memory_space<hbm>>)
      tpu.yield
    }) : () -> ()
    return
  }
}

</mosaic_0001>

<sc_bundles>
// kernel: kernel.3.cloned.1.call-start
scs
__scs_entry_jumppad:
0x0: {  	(pc) =	sbr.rel $0x88, $3  }
0x1: {  	(tag) =	ssettag $0x0;
	lr =	simm.s32 $0x1  }
0x2: {  	[smem:$0x3F9E] =	sst lr;
	_ =	strace $0xD0000000  }
0x3: {  	_ = 	snop  }
0x4: {  	_ = 	snop  }
0x5: {  	_ = 	snop  }
0x6: {  	_ = 	snop  }
0x7: {  	_ = 	snop  }
__scs_overlays_trampoline_lowered:
0x8: {  	[smem:$0x3FAD] =	sst s0  }
0x9: {  	[smem:$0x3FAE] =	sst s1  }
0xa: {  	[smem:$0x3FAF] =	sst s2  }
0xb: {  	[smem:$0x3FB0] =	sst s3  }
0xc: {  	[smem:$0x3FB1] =	sst s4  }
0xd: {  	[smem:$0x3FB2] =	sst s5  }
0xe: {  	[smem:$0x3FB3] =	sst s6  }
0xf: {  	[smem:$0x3FB4] =	sst s7  }
0x10: {  	[smem:$0x3FB5] =	sst s8  }
0x11: {  	[smem:$0x3FB6] =	sst s9;
	s0 =	simm.s32 @!p0 $0x0  }
0x12: {  	s1 =	sld [smem:$0x3F9C];
	s0 =	simm.s32 @p0 $0x1  }
0x13: {  	[smem:$0x3FB7] =	sst s0;
	s0 =	simm.s32 @!p1 $0x0  }
0x14: {  	s2 =	sld [smem:$0x3F9B];
	s0 =	simm.s32 @p1 $0x1  }
0x15: {  	[smem:$0x3FB8] =	sst s0;
	s0 =	simm.s32 @!p2 $0x0  }
0x16: {  	s3 =	sld [smem:$0x3FDB];
	s0 =	simm.s32 @p2 $0x1  }
0x17: {  	s4 =	simm.s32 $0x1BF5;
	[smem:$0x3FBA] =	sst s0  }
0x18: {  	s0 =	sld [smem:$0x3F9D];
	_ =	swait.ge [sflag:s4], $0x0  }
0x19: {  	s7 =	sld [smem:$0x3F9E]  }
0x1a: {  	s8 =	sadd.s32 $0xFFFFE003, lr  }
0x1b: {  	s9 =	sadd.s32 $0xFFFFFEF7, lr;
	s5 =	simm.s32 $0xFFFFFFFF;
	p2 =	slt.u32 s8, $0xFFFFF086  }
0x1c: {  	p1 =	slt.u32 s9, $0xF7A;
	s5 =	simm.s32 @!p2 $0x0  }
0x1d: {  	s5 =	simm.s32 @p1 $0x1;
	p0 =	seq.s32 s7, s2  }
0x1e: {  	s7 =	smul.u32 @!p0 $0xF7A, s2;
	p2 =	seq.s32 @!p0 s5, $0x0  }
0x1f: {  	s9 =	smul.u32 $0xF7A, s1;
	s8 =	simm.s32 @!p0 $0x1BF5;
	p2 =	por !p2, p0  }
0x20: {  	[sflag:s8] =	ssyncset.s32 @!p0 $0xFFFFF086;
	s6 =	sadd.s32 @!p0 s3, s7;
	s7 =	simm.s32 @!p0 $0x108  }
0x21: {  	s3 =	sadd.s32 s3, s9;
	s6 =	sadd.s32 @!p0 $0x88, s6;
	s7 =	simm.s32 @p2 $0x1082  }
0x22: {  	[simem:s7], [sflag:s8] =	dma.local @!p0 [hbm:s6], $0xF7A  }
0x23: {  	s9 =	sor.u32 $0xD0000000, s2;
	s6 =	simm.s32 $0x108;
	_ =	swait.ge @!p0 [sflag:s8], $0x0  }
0x24: {  	s3 =	sadd.s32 $0x88, s3;
	s6 =	simm.s32 @!p1 $0x1082;
	[sflag:s4] =	ssyncset.s32 $0xFFFFF086  }
0x25: {  	[simem:s6], [sflag:s4] =	dma.local [hbm:s3], $0xF7A  }
0x26: {  	[smem:$0x3F9E] =	sst s1;
	(tag) =	ssettag s2;
	_ =	strace s9  }
0x27: {  	s1 =	sld [smem:$0x3FAE]  }
0x28: {  	s2 =	sld [smem:$0x3FAF]  }
0x29: {  	s4 =	sld [smem:$0x3FB1]  }
0x2a: {  	p0 =	seq.s32 s5, $0x0;
	s5 =	sld [smem:$0x3FB2]  }
0x2b: {  	s6 =	sld [smem:$0x3FB3]  }
0x2c: {  	s7 =	sld [smem:$0x3FB4]  }
0x2d: {  	s3 =	simm.s32 $0x108;
	s8 =	sld [smem:$0x3FB5]  }
0x2e: {  	s3 =	simm.s32 @!p0 $0x1082;
	s9 =	sld [smem:$0x3FB6]  }
0x2f: {  	lr =	sadd.s32 s0, s3;
	s0 =	sld [smem:$0x3FAD]  }
0x30: {  	s3 =	sld [smem:$0x3FB0]  }
0x31: {  	[smem:$0x3FB9] =	sst s10  }
0x32: {  	s10 =	sld [smem:$0x3FB7];
	_ =	sdelay $0x3  }
0x33: {  	p0 =	seq.s32 s10, $0x1;
	s10 =	sld [smem:$0x3FB9];
	_ =	sdelay $0x3  }
0x34: {  	[smem:$0x3FB9] =	sst s10  }
0x35: {  	s10 =	sld [smem:$0x3FB8];
	_ =	sdelay $0x3  }
0x36: {  	p1 =	seq.s32 s10, $0x1;
	s10 =	sld [smem:$0x3FB9];
	_ =	sdelay $0x3  }
0x37: {  	[smem:$0x3FB9] =	sst s10  }
0x38: {  	s10 =	sld [smem:$0x3FBA]  }
0x39: {  	_ = 	snop;
	(pc) =	sbr.ind lr, $3  }
0x3a: {  	_ = 	snop  }
0x3b: {  	_ = 	snop  }
0x3c: {  	p2 =	seq.s32 s10, $0x1;
	s10 =	sld [smem:$0x3FB9]  }
0x3d: {  	_ =	shalt  }
0x3e: {  	_ =	shalt  }
0x3f: {  	_ =	shalt  }
0x40: {  	_ =	shalt  }
0x41: {  	_ =	shalt  }
0x42: {  	_ =	shalt  }
0x43: {  	_ =	shalt  }
0x44: {  	_ =	shalt  }
0x45: {  	_ =	shalt  }
0x46: {  	_ =	shalt  }
0x47: {  	_ =	shalt  }
0x48: {  	_ =	shalt  }
0x49: {  	_ =	shalt  }
0x4a: {  	_ =	shalt  }
0x4b: {  	_ =	shalt  }
0x4c: {  	_ =	shalt  }
0x4d: {  	_ =	shalt  }
0x4e: {  	_ =	shalt  }
0x4f: {  	_ =	shalt  }
0x50: {  	_ =	shalt  }
0x51: {  	_ =	shalt  }
0x52: {  	_ =	shalt  }
0x53: {  	_ =	shalt  }
0x54: {  	_ =	shalt  }
0x55: {  	_ =	shalt  }
0x56: {  	_ =	shalt  }
0x57: {  	_ =	shalt  }
0x58: {  	_ =	shalt  }
0x59: {  	_ =	shalt  }
0x5a: {  	_ =	shalt  }
0x5b: {  	_ =	shalt  }
0x5c: {  	_ =	shalt  }
0x5d: {  	_ =	shalt  }
0x5e: {  	_ =	shalt  }
0x5f: {  	_ =	shalt  }
0x60: {  	_ =	shalt  }
0x61: {  	_ =	shalt  }
0x62: {  	_ =	shalt  }
0x63: {  	_ =	shalt  }
0x64: {  	_ =	shalt  }
0x65: {  	_ =	shalt  }
0x66: {  	_ =	shalt  }
0x67: {  	_ =	shalt  }
0x68: {  	_ =	shalt  }
0x69: {  	_ =	shalt  }
0x6a: {  	_ =	shalt  }
0x6b: {  	_ =	shalt  }
0x6c: {  	_ =	shalt  }
0x6d: {  	_ =	shalt  }
0x6e: {  	_ =	shalt  }
0x6f: {  	_ =	shalt  }
0x70: {  	_ =	shalt  }
0x71: {  	_ =	shalt  }
0x72: {  	_ =	shalt  }
0x73: {  	_ =	shalt  }
0x74: {  	_ =	shalt  }
0x75: {  	_ =	shalt  }
0x76: {  	_ =	shalt  }
0x77: {  	_ =	shalt  }
0x78: {  	_ =	shalt  }
0x79: {  	_ =	shalt  }
0x7a: {  	_ =	shalt  }
0x7b: {  	_ =	shalt  }
0x7c: {  	_ =	shalt  }
0x7d: {  	_ =	shalt  }
0x7e: {  	_ =	shalt  }
0x7f: {  	_ =	shalt  }
0x80: {  	_ =	shalt  }
0x81: {  	_ =	shalt  }
0x82: {  	_ =	shalt  }
0x83: {  	_ =	shalt  }
0x84: {  	_ =	shalt  }
0x85: {  	_ =	shalt  }
0x86: {  	_ =	shalt  }
0x87: {  	_ =	shalt  }
.Lfunc_end0:
.L_simem_size_0:
called_computation_lowered:
.L_overlay_start_0:
0x88: {  	s2 =	sld [smem:$0x3FD9]  }
0x89: {  	s3 =	sld [smem:$0x3FFE];
	_ =	sdelay $0x1  }
0x8a: {  	s1 =	srdreg.scid  }
0x8b: {  	s0 =	sand.u32 $0x1, s1  }
0x8c: {  	s17 =	sshll.u32 s0, $0xA;
	s2 =	sadd.s32 s3, s2  }
0x8d: {  	s2 =	sadd.s32 s2, s17  }
0x8e: {  	[smem:$0x3FC5] =	sst s2  }
0x8f: {  	_ = 	snop  }
0x90: {  	s2 =	sld [smem:$0x3FC8]  }
0x91: {  	s18 =	sld [smem:$0x3FC7]  }
0x92: {  	s4 =	sld [smem:$0x3FD0];
	(tm) =	ssettm $0x1  }
0x93: {  	s5 =	sld [smem:$0x3FFB];
	_ =	sdelay $0x3  }
0x94: {  	_ =	strace s5  }
0x95: {  	s5 =	sld [smem:$0x3FFC];
	_ =	sdelay $0x3  }
0x96: {  	_ =	strace s5  }
0x97: {  	s5 =	sld [smem:$0x3FFD];
	_ =	sdelay $0x3  }
0x98: {  	_ =	strace s5  }
0x99: {  	_ =	strace $0x8FFFFFFF  }
0x9a: {  	s19 =	sld [smem:$0x3FDB];
	_ =	sdelay $0x1  }
0x9b: {  	s6 =	simm.s32 $_scs_section_size  }
0x9c: {  	s7 =	simm.s32 $_size__tile_overlayer_lowered;
	s8 =	simm.s32 $_tile_overlayer_lowered  }
0x9d: {  	s22 =	simm.s32 $0x1BFF;
	s21 =	sshll.u32 s8, $0x1;
	s5 =	sadd.s32 s6, s19  }
0x9e: {  	s9 =	simm.s32 $0x0;
	s20 =	sshll.u32 s7, $0x1;
	s7 =	sadd.s32 s21, s5  }
0x9f: {  	[timem:s9], [sflag:s22] =	dma.local [hbm:s7], s20  }
0xa0: {  	_ =	swait.ge [sflag:s22], s20  }
0xa1: {  	s6 =	ssub.s32 $0x0, s20;
	[sflag:s22] =	ssyncset.done $0x0  }
0xa2: {  	[sflag:s22] =	ssyncadd.s32 s6;
	_ =	sdelay $0x1  }
0xa3: {  	s23 =	simm.s32 $0x1B8B  }
0xa4: {  	_ =	swait.ge [sflag:s23], $0x1  }
0xa5: {  	[sflag:s23] =	ssyncset.done $0x0  }
0xa6: {  	s25 =	simm.s32 $0x1B8E;
	s24 =	sld [smem:$0x3FFE];
	[sflag:s23] =	ssyncadd.s32 $0xFFFFFFFF  }
0xa7: {  	s26 =	simm.s32 $execute0_lowered;
	[smem:$0x3FD2] =	sst s25  }
0xa8: {  	s7 =	sshll.u32 s26, $0x1;
	_ =	strace $0x80000046;
	[dreg:$0x1] =	wrdreg $0xFFFFFFFF  }
0xa9: {  	s28 =	simm.s32 $_size_execute0_lowered;
	s5 =	sadd.s32 s5, s7;
	[dreg:$0x0] =	wrdreg $0x0  }
0xaa: {  	s7 =	sshll.u32 s28, $0x1;
	[dreg:$0x2] =	wrdreg s5  }
0xab: {  	[dreg:$0x3] =	wrdreg s7  }
0xac: {  	[dreg:$0x4] =	wrdreg $0xC0  }
0xad: {  	_ =	task [dreg:s9], $0x5FFFF  }
0xae: {  	[dreg:$0x1] =	wrdreg $0xFFFFFFFF  }
0xaf: {  	[dreg:$0x0] =	wrdreg $0x60  }
0xb0: {  	[dreg:$0x2] =	wrdreg s2  }
0xb1: {  	[dreg:$0x3] =	wrdreg s18  }
0xb2: {  	[dreg:$0x4] =	wrdreg s24  }
0xb3: {  	[dreg:$0x5] =	wrdreg s4  }
0xb4: {  	[dreg:$0x6] =	wrdreg $0x9  }
0xb5: {  	_ =	task.clear_ibuf [dreg:s9], $0x7FFFF;
	_ =	strace $0x90000046  }
0xb6: {  	s29 =	simm.s32 $0x9;
	_ =	strace $0x80000048  }
0xb7: {  	_ =	swait.ge [sflag:s29], $0x1  }
0xb8: {  	[sflag:s29] =	ssyncadd.s32 $0xFFFFFFFF  }
0xb9: {  	_ =	strace $0x90000048  }
0xba: {  	_ =	sfence  }
0xbb: {  	s30 =	sld [smem:$0x0];
	_ =	sdelay $0x2  }
0xbc: {  	s31 =	sshll.u32 s1, $0xD;
	s1 =	sshrl.u32 s1, $0x2  }
0xbd: {  	s3 =	sand.u32 $0x4000, s31;
	s1 =	sadd.s32 s1, s30  }
0xbe: {  	s0 =	sor.u32 s3, s0;
	s1 =	sshll.u32 s1, $0x11  }
0xbf: {  	s0 =	sor.u32 s1, s0  }
0xc0: {  	s0 =	sadd.s32 $0x8F2B, s0  }
0xc1: {  	[sflag:s0] =	ssyncadd.remote.s32 $0x1  }
0xc2: {  	_ =	sfence.sel $0xFFFF  }
0xc3: {  	[dreg:$0x0] =	wrdreg $0xFFFFFFFF;
	(pc) =	sbr.abs _section_cstart, $3  }
0xc4: {  	[dreg:$0x1] =	wrdreg $0xFFFFFFFF  }
0xc5: {  	_ =	task.clear_ibuf [dreg:s9], $0x2FFFF;
	_ =	strace $0x9FFFFFFF  }
0xc6: {  	(tm) =	ssettm $0x7FFFFFFF  }
0xc7: {  	_ =	shalt  }
tec
execute0_lowered:
.L_overlay_start_1:
0x0: {  	(tag) =	ssettag $0x1  }
0x1: {  	s1 =	rddreg [dreg:$0x0]  }
0x2: {  	s0 =	rddreg [dreg:$0x2]  }
0x3: {  	s2 =	rddreg [dreg:$0x3]  }
0x4: {  	s3 =	srdreg.scid;
	s4 =	simm.s32 $0x0;
	s5 =	stileid.u32  }
0x5: {  	s10 =	simm.s32 $0x80;
	s11 =	simm.s32 $0x100;
	s12 =	simm.s32 $0x1  }
0x6: {  	s13 =	simm.s32 $0x2;
	s14 =	simm.s32 $0x3;
	s15 =	simm.s32 $0x180  }
0x7: {  	s17 =	simm.s32 $0x8180;
	s18 =	simm.s32 $0x4;
	s3 =	sand.u32 $0x1, s3  }
0x8: {  	s19 =	simm.s32 $0x0;
	s5 =	sshll.u32 s5, $0x5;
	s6 =	sshll.u32 s3, $0x4  }
0x9: {  	[smem:$0x7FF] =	sst s4;
	s3 =	ssub.s32 $0x2, s3;
	s8 =	sor.u32 s6, s5  }
0xa: {  	_ =	strace $0x80000047;
	s31 =	sshrl.u32 s3, $0x1;
	s0 =	sadd.s32 s8, s0  }
0xb: {  	s3 =	ssub.s32 s3, s31;
	s8 =	sadd.s32 s2, s8;
	s5 =	sadd.s32 $0xA00, s0  }
0xc: {  	v0 =	vlaneseq.u32;
	s6 =	sadd.s32 $0x800, s0;
	s7 =	sadd.s32 $0x600, s0;
	s9 =	smax.u32 s3, $0x1  }
.LBB2_1:
0xd: {  	[tilespmem:s4], [sflag:$0x1] =	stream.linear.gather [hbm4b:s5+s4], $0x80, $0x38;
	[tilespmem:$0x8500] =	vst v63  }
0xe: {  	_ = 	snop  }
0xf: {  	[tilespmem:s10], [sflag:$0x2] =	stream.linear.gather [hbm4b:s6+s4], $0x80, $0x38;
	[tilespmem:$0x8500] =	vst v63  }
0x10: {  	_ = 	snop  }
0x11: {  	[tilespmem:s11], [sflag:$0x3] =	stream.linear.gather [hbm4b:s7+s4], $0x80, $0x38;
	[tilespmem:$0x8500] =	vst v63  }
0x12: {  	_ =	swait.ge [sflag:s12], $0x80  }
0x13: {  	[sflag:s12] =	ssyncset.done $0x0  }
0x14: {  	[sflag:s12] =	ssyncadd.s32 $0xFFFFFF80  }
0x15: {  	_ =	swait.ge [sflag:s13], $0x80  }
0x16: {  	[sflag:s13] =	ssyncset.done $0x0  }
0x17: {  	[sflag:s13] =	ssyncadd.s32 $0xFFFFFF80  }
0x18: {  	_ =	swait.ge [sflag:s14], $0x80  }
0x19: {  	[sflag:s14] =	ssyncset.done $0x0  }
0x1a: {  	[sflag:s14] =	ssyncadd.s32 $0xFFFFFF80  }
0x1b: {  	[tilespmem:s15], [sflag:$0x1] =	stream.indirect.gather [hbm4b:s1+s10], $0x80, s4, s10, $0xb8;
	[tilespmem:$0x8500] =	vst v63  }
0x1c: {  	s0 =	simm.s32 $0x4180  }
0x1d: {  	[tilespmem:s0], [sflag:$0x3] =	stream.indirect.gather [hbm4b:s1+s10], $0x80, s11, s10, $0xb8;
	[tilespmem:$0x8500] =	vst v63  }
0x1e: {  	_ =	swait.ge [sflag:s12], $0x4000  }
0x1f: {  	[sflag:s12] =	ssyncset.done $0x0  }
0x20: {  	[sflag:s12] =	ssyncadd.s32 $0xFFFFC000  }
0x21: {  	s31 =	rddreg [dreg:$0x1]  }
0x22: {  	[tilespmem:s15], [sflag:$0x2] =	stream.indirect.gather.add.f32 [hbm:s31], $0x80, s10, s10, $0xb8;
	[tilespmem:$0x8500] =	vst v63  }
0x23: {  	_ =	swait.ge [sflag:s13], $0x4000  }
0x24: {  	[sflag:s13] =	ssyncset.done $0x0  }
0x25: {  	[sflag:s13] =	ssyncadd.s32 $0xFFFFC000  }
0x26: {  	_ =	swait.ge [sflag:s14], $0x4000  }
0x27: {  	s3 =	simm.s32 $0x4200;
	[sflag:s14] =	ssyncset.done $0x0  }
0x28: {  	s21 =	simm.s32 $0x200;
	s22 =	simm.s32 $0x0;
	[sflag:s14] =	ssyncadd.s32 $0xFFFFC000  }
.LBB2_2:
0x29: {  	v1 =	vld [tilespmem:s3+$0xFFFFFF80]  }
0x2a: {  	v2 =	vld [tilespmem:s21+$0xFFFFFF90]  }
0x2b: {  	v3 =	vld [tilespmem:s21+$0xFFFFFF80]  }
0x2c: {  	v4 =	vld [tilespmem:s3+$0xFFFFFF90]  }
0x2d: {  	v5 =	vld [tilespmem:s3+$0xFFFFFFA0]  }
0x2e: {  	v6 =	vld [tilespmem:s21+$0xFFFFFFA0]  }
0x2f: {  	v7 =	vld [tilespmem:s3+$0xFFFFFFB0]  }
0x30: {  	v8 =	vld [tilespmem:s21+$0xFFFFFFB0]  }
0x31: {  	v58 =	vld [tilespmem:s21+$0xFFFFFFC0];
	v1 =	vsub.f32 v3, v1;
	v2 =	vsub.f32 v2, v4  }
0x32: {  	v3 =	vld [tilespmem:s3+$0xFFFFFFC0]  }
0x33: {  	v59 =	vld [tilespmem:s3+$0xFFFFFFD0];
	v5 =	vsub.f32 v6, v5;
	v1 =	vand.u32 $0x7FFFFFFF, v1;
	v2 =	vand.u32 $0x7FFFFFFF, v2  }
0x34: {  	v1 =	vadd.f32 v2, v1;
	v2 =	vld [tilespmem:s21+$0xFFFFFFD0]  }
0x35: {  	v60 =	vld [tilespmem:s3+$0xFFFFFFE0];
	v7 =	vsub.f32 v8, v7;
	v5 =	vand.u32 $0x7FFFFFFF, v5  }
0x36: {  	v61 =	vld [tilespmem:s21+$0xFFFFFFE0];
	v1 =	vadd.f32 v5, v1  }
0x37: {  	v62 =	vld [tilespmem:s3+$0xFFFFFFF0];
	v7 =	vand.u32 $0x7FFFFFFF, v7;
	v3 =	vsub.f32 v58, v3  }
0x38: {  	v63 =	vld [tilespmem:s21+$0xFFFFFFF0];
	v1 =	vadd.f32 v7, v1  }
0x39: {  	v3 =	vand.u32 $0x7FFFFFFF, v3;
	v2 =	vsub.f32 v2, v59  }
0x3a: {  	v1 =	vadd.f32 v3, v1  }
0x3b: {  	v3 =	vsub.f32 v61, v60;
	v2 =	vand.u32 $0x7FFFFFFF, v2  }
0x3c: {  	v1 =	vadd.f32 v2, v1  }
0x3d: {  	v2 =	vand.u32 $0x7FFFFFFF, v3;
	v3 =	vsub.f32 v63, v62  }
0x3e: {  	v1 =	vadd.f32 v2, v1  }
0x3f: {  	v2 =	vand.u32 $0x7FFFFFFF, v3  }
0x40: {  	v1 =	vadd.f32 v2, v1  }
0x41: {  	s23 =	simm.s32 $0x8240  }
0x42: {  	[tilespmem:s23+$0xFFFFFFD0] =	vst v1  }
0x43: {  	v2 =	vld [tilespmem:s23+$0xFFFFFFD8];
	_ =	sdelay $0x4  }
0x44: {  	v1 =	vadd.f32 v1, v2;
	_ =	sdelay $0x1  }
0x45: {  	[tilespmem:s23+$0xFFFFFFD0] =	vst v1  }
0x46: {  	v2 =	vld [tilespmem:s23+$0xFFFFFFD4];
	_ =	sdelay $0x4  }
0x47: {  	v1 =	vadd.f32 v2, v1;
	_ =	sdelay $0x1  }
0x48: {  	[tilespmem:s23+$0xFFFFFFD0] =	vst v1  }
0x49: {  	v2 =	vld [tilespmem:s23+$0xFFFFFFD2];
	_ =	sdelay $0x4  }
0x4a: {  	s24 =	simm.s32 $0x0;
	s29 =	simm.s32 $0x823F;
	s30 =	simm.s32 $0x2;
	v2 =	vadd.f32 v2, v1  }
0x4b: {  	s31 =	sadd.s32 $0x100, s21;
	s0 =	simm.s32 $0x8240;
	s20 =	smov.u32 s3  }
0x4c: {  	s28 =	smov.u32 s3;
	s26 =	smov.u32 s21;
	s25 =	simm.s32 $0x823F;
	v1 =	vimm.f32 $0.0e+00;
	[tilespmem:s23+$0xFFFFFFD0] =	vst v2  }
.LBB2_3:
0x4d: {  	v3 =	vld [tilespmem:s23+$0xFFFFFFD1];
	s29 =	sadd.s32 $0x5E, s29;
	s0 =	sadd.s32 $0x60, s0;
	s20 =	sadd.s32 $0x100, s20  }
0x4e: {  	p0 =	sne.s32 s30, $0xE;
	s2 =	smov.u32 s30;
	s30 =	sadd.s32 $0x2, s30  }
0x4f: {  	_ =	sdelay $0x2  }
0x50: {  	v2 =	vadd.f32 v3, v2;
	_ =	sdelay $0x1  }
0x51: {  	[tilespmem:s23+$0xFFFFFFD0] =	vst v2  }
0x52: {  	v2 =	vld [tilespmem:s28+$0x10]  }
0x53: {  	v3 =	vld [tilespmem:s28+$0x0]  }
0x54: {  	v4 =	vld [tilespmem:s26+$0x10]  }
0x55: {  	v5 =	vld [tilespmem:s26+$0x0]  }
0x56: {  	v6 =	vld [tilespmem:s28+$0x20]  }
0x57: {  	v7 =	vld [tilespmem:s26+$0x20]  }
0x58: {  	v8 =	vld [tilespmem:s28+$0x30]  }
0x59: {  	v2 =	vsub.f32 v4, v2;
	v4 =	vld [tilespmem:s26+$0x30]  }
0x5a: {  	v3 =	vsub.f32 v5, v3;
	v5 =	vld [tilespmem:s28+$0x40]  }
0x5b: {  	v9 =	vld [tilespmem:s26+$0x40]  }
0x5c: {  	v2 =	vand.u32 $0x7FFFFFFF, v2;
	v3 =	vand.u32 $0x7FFFFFFF, v3;
	v6 =	vsub.f32 v7, v6;
	v7 =	vld [tilespmem:s28+$0x50]  }
0x5d: {  	v2 =	vadd.f32 v2, v3;
	v3 =	vld [tilespmem:s26+$0x50]  }
0x5e: {  	v6 =	vand.u32 $0x7FFFFFFF, v6;
	v4 =	vsub.f32 v4, v8;
	v8 =	vld [tilespmem:s28+$0x60]  }
0x5f: {  	v2 =	vadd.f32 v6, v2;
	v6 =	vld [tilespmem:s26+$0x60]  }
0x60: {  	v4 =	vand.u32 $0x7FFFFFFF, v4;
	v5 =	vsub.f32 v9, v5;
	v9 =	vld [tilespmem:s28+$0x70];
	s28 =	smov.u32 s20  }
0x61: {  	v2 =	vadd.f32 v4, v2;
	v4 =	vld [tilespmem:s26+$0x70];
	s26 =	smov.u32 s31  }
0x62: {  	v5 =	vand.u32 $0x7FFFFFFF, v5;
	v3 =	vsub.f32 v3, v7  }
0x63: {  	v2 =	vadd.f32 v5, v2  }
0x64: {  	v3 =	vand.u32 $0x7FFFFFFF, v3;
	v5 =	vsub.f32 v6, v8  }
0x65: {  	v2 =	vadd.f32 v3, v2  }
0x66: {  	v3 =	vand.u32 $0x7FFFFFFF, v5;
	v4 =	vsub.f32 v4, v9  }
0x67: {  	v2 =	vadd.f32 v3, v2  }
0x68: {  	v3 =	vand.u32 $0x7FFFFFFF, v4  }
0x69: {  	v2 =	vadd.f32 v3, v2  }
0x6a: {  	v3 =	vld [tilespmem:s25+$0xFFFFFFD1]  }
0x6b: {  	[tilespmem:s23+$0x0] =	vst v2  }
0x6c: {  	v4 =	vld [tilespmem:s23+$0x8];
	_ =	sdelay $0x4  }
0x6d: {  	v2 =	vadd.f32 v2, v4;
	_ =	sdelay $0x1  }
0x6e: {  	[tilespmem:s23+$0x0] =	vst v2  }
0x6f: {  	v4 =	vld [tilespmem:s23+$0x4];
	_ =	sdelay $0x4  }
0x70: {  	v2 =	vadd.f32 v4, v2;
	_ =	sdelay $0x1  }
0x71: {  	[tilespmem:s23+$0x0] =	vst v2  }
0x72: {  	v4 =	vld [tilespmem:s23+$0x2];
	_ =	sdelay $0x4  }
0x73: {  	v2 =	vadd.f32 v4, v2;
	_ =	sdelay $0x1  }
0x74: {  	[tilespmem:s23+$0x0] =	vst v2  }
0x75: {  	v4 =	vld [tilespmem:s23+$0x1];
	_ =	sdelay $0x4  }
0x76: {  	v2 =	vadd.f32 v4, v2;
	_ =	sdelay $0x1  }
0x77: {  	[tilespmem:s23+$0x0] =	vst v2;
	s23 =	smov.u32 s0  }
0x78: {  	v2 =	vld [tilespmem:s25+$0x0];
	s25 =	smov.u32 s29;
	_ =	sdelay $0x1  }
0x79: {  	s16 =	sadd.s32 $0x1, s24;
	v5 =	vmov s24;
	s24 =	smov.u32 s2;
	v4 =	vld [tilespmem:s20+$0xFFFFFF80]  }
0x7a: {  	vm0 =	veq.s32 v5, v0;
	v5 =	vmov s16;
	v6 =	vld [tilespmem:s31+$0xFFFFFF90]  }
0x7b: {  	v1 =	vsel vm0, v3, v1;
	vm0 =	veq.s32 v5, v0;
	v7 =	vld [tilespmem:s31+$0xFFFFFF80]  }
0x7c: {  	v3 =	vld [tilespmem:s20+$0xFFFFFF90];
	v1 =	vsel vm0, v2, v1  }
0x7d: {  	v2 =	vld [tilespmem:s20+$0xFFFFFFA0]  }
0x7e: {  	v5 =	vld [tilespmem:s31+$0xFFFFFFA0]  }
0x7f: {  	v8 =	vld [tilespmem:s20+$0xFFFFFFB0]  }
0x80: {  	v4 =	vsub.f32 v7, v4;
	v7 =	vld [tilespmem:s31+$0xFFFFFFB0]  }
0x81: {  	v3 =	vsub.f32 v6, v3;
	v6 =	vld [tilespmem:s20+$0xFFFFFFC0]  }
0x82: {  	v4 =	vand.u32 $0x7FFFFFFF, v4;
	v9 =	vld [tilespmem:s31+$0xFFFFFFC0]  }
0x83: {  	v3 =	vand.u32 $0x7FFFFFFF, v3;
	v2 =	vsub.f32 v5, v2;
	v5 =	vld [tilespmem:s20+$0xFFFFFFD0]  }
0x84: {  	v3 =	vadd.f32 v3, v4;
	v4 =	vld [tilespmem:s31+$0xFFFFFFD0]  }
0x85: {  	v2 =	vand.u32 $0x7FFFFFFF, v2;
	v7 =	vsub.f32 v7, v8;
	v8 =	vld [tilespmem:s20+$0xFFFFFFE0]  }
0x86: {  	v2 =	vadd.f32 v2, v3;
	v3 =	vld [tilespmem:s31+$0xFFFFFFE0]  }
0x87: {  	v7 =	vand.u32 $0x7FFFFFFF, v7;
	v6 =	vsub.f32 v9, v6;
	v9 =	vld [tilespmem:s20+$0xFFFFFFF0]  }
0x88: {  	v2 =	vadd.f32 v7, v2;
	v7 =	vld [tilespmem:s31+$0xFFFFFFF0]  }
0x89: {  	v6 =	vand.u32 $0x7FFFFFFF, v6;
	v4 =	vsub.f32 v4, v5  }
0x8a: {  	v2 =	vadd.f32 v6, v2  }
0x8b: {  	v4 =	vand.u32 $0x7FFFFFFF, v4;
	v3 =	vsub.f32 v3, v8  }
0x8c: {  	v2 =	vadd.f32 v4, v2  }
0x8d: {  	v3 =	vand.u32 $0x7FFFFFFF, v3;
	v4 =	vsub.f32 v7, v9  }
0x8e: {  	v2 =	vadd.f32 v3, v2  }
0x8f: {  	v3 =	vand.u32 $0x7FFFFFFF, v4  }
0x90: {  	v2 =	vadd.f32 v3, v2;
	_ =	sdelay $0x1  }
0x91: {  	[tilespmem:s0+$0xFFFFFFD0] =	vst v2  }
0x92: {  	v3 =	vld [tilespmem:s0+$0xFFFFFFD8];
	_ =	sdelay $0x4  }
0x93: {  	v2 =	vadd.f32 v2, v3;
	_ =	sdelay $0x1  }
0x94: {  	[tilespmem:s0+$0xFFFFFFD0] =	vst v2  }
0x95: {  	v3 =	vld [tilespmem:s0+$0xFFFFFFD4];
	_ =	sdelay $0x4  }
0x96: {  	v2 =	vadd.f32 v3, v2;
	_ =	sdelay $0x1  }
0x97: {  	[tilespmem:s0+$0xFFFFFFD0] =	vst v2  }
0x98: {  	v3 =	vld [tilespmem:s0+$0xFFFFFFD2];
	_ =	sdelay $0x2  }
.Ltmp0:
0x99: {  	(pc) =	sbr.rel @p0 .LBB2_3-.Ltmp0, $3  }
0x9a: {  	_ = 	snop  }
0x9b: {  	v2 =	vadd.f32 v3, v2;
	_ =	sdelay $0x1  }
0x9c: {  	s31 =	sadd.s32 $0x100, s31;
	[tilespmem:s0+$0xFFFFFFD0] =	vst v2  }
0x9d: {  	v3 =	vld [tilespmem:s23+$0xFFFFFFD1];
	_ =	sdelay $0x4  }
0x9e: {  	v2 =	vadd.f32 v3, v2;
	_ =	sdelay $0x1  }
0x9f: {  	[tilespmem:s23+$0xFFFFFFD0] =	vst v2  }
0xa0: {  	v2 =	vld [tilespmem:s28+$0x10]  }
0xa1: {  	v3 =	vld [tilespmem:s28+$0x0]  }
0xa2: {  	v4 =	vld [tilespmem:s26+$0x10]  }
0xa3: {  	v5 =	vld [tilespmem:s26+$0x0]  }
0xa4: {  	v6 =	vld [tilespmem:s28+$0x20]  }
0xa5: {  	v7 =	vld [tilespmem:s26+$0x20]  }
0xa6: {  	v8 =	vld [tilespmem:s28+$0x30]  }
0xa7: {  	v9 =	vld [tilespmem:s26+$0x30]  }
0xa8: {  	v49 =	vld [tilespmem:s28+$0x40];
	v2 =	vsub.f32 v4, v2;
	v3 =	vsub.f32 v5, v3  }
0xa9: {  	v50 =	vld [tilespmem:s26+$0x40]  }
0xaa: {  	v51 =	vld [tilespmem:s28+$0x50];
	v6 =	vsub.f32 v7, v6;
	v3 =	vand.u32 $0x7FFFFFFF, v3;
	v2 =	vand.u32 $0x7FFFFFFF, v2  }
0xab: {  	v2 =	vadd.f32 v2, v3;
	v3 =	vld [tilespmem:s26+$0x50]  }
0xac: {  	v52 =	vld [tilespmem:s28+$0x60];
	v8 =	vsub.f32 v9, v8;
	v6 =	vand.u32 $0x7FFFFFFF, v6  }
0xad: {  	v53 =	vld [tilespmem:s26+$0x60];
	v2 =	vadd.f32 v6, v2  }
0xae: {  	v54 =	vld [tilespmem:s28+$0x70];
	v4 =	vsub.f32 v50, v49;
	v8 =	vand.u32 $0x7FFFFFFF, v8  }
0xaf: {  	v55 =	vld [tilespmem:s26+$0x70];
	v2 =	vadd.f32 v8, v2  }
0xb0: {  	v4 =	vand.u32 $0x7FFFFFFF, v4;
	v3 =	vsub.f32 v3, v51  }
0xb1: {  	v2 =	vadd.f32 v4, v2  }
0xb2: {  	v56 =	vsub.f32 v53, v52;
	v3 =	vand.u32 $0x7FFFFFFF, v3  }
0xb3: {  	v2 =	vadd.f32 v3, v2  }
0xb4: {  	v57 =	vsub.f32 v55, v54;
	v3 =	vand.u32 $0x7FFFFFFF, v56  }
0xb5: {  	v2 =	vadd.f32 v3, v2  }
0xb6: {  	v3 =	vand.u32 $0x7FFFFFFF, v57  }
0xb7: {  	v2 =	vadd.f32 v3, v2;
	_ =	sdelay $0x1  }
0xb8: {  	v3 =	vld [tilespmem:s25+$0xFFFFFFD1];
	[tilespmem:s23+$0x0] =	vst v2  }
0xb9: {  	v58 =	vld [tilespmem:s23+$0x8];
	_ =	sdelay $0x4  }
0xba: {  	v2 =	vadd.f32 v2, v58;
	_ =	sdelay $0x1  }
0xbb: {  	[tilespmem:s23+$0x0] =	vst v2  }
0xbc: {  	v59 =	vld [tilespmem:s23+$0x4];
	_ =	sdelay $0x4  }
0xbd: {  	v2 =	vadd.f32 v59, v2;
	_ =	sdelay $0x1  }
0xbe: {  	[tilespmem:s23+$0x0] =	vst v2  }
0xbf: {  	v60 =	vld [tilespmem:s23+$0x2];
	_ =	sdelay $0x4  }
0xc0: {  	v2 =	vadd.f32 v60, v2;
	_ =	sdelay $0x1  }
0xc1: {  	[tilespmem:s23+$0x0] =	vst v2  }
0xc2: {  	v61 =	vld [tilespmem:s23+$0x1];
	_ =	sdelay $0x4  }
0xc3: {  	v2 =	vadd.f32 v61, v2;
	_ =	sdelay $0x1  }
0xc4: {  	[tilespmem:s23+$0x0] =	vst v2  }
0xc5: {  	v2 =	vld [tilespmem:s25+$0x0];
	_ =	sdelay $0x1  }
0xc6: {  	v62 =	vmov s24;
	s0 =	sadd.s32 $0x1, s24;
	s31 =	sshll.u32 s22, $0x4;
	s22 =	sadd.s32 $0x1, s22  }
0xc7: {  	vm0 =	veq.s32 v62, v0;
	v63 =	vmov s0;
	p0 =	sne.s32 s22, $0x8  }
.Ltmp1:
0xc8: {  	vm15 =	veq.s32 v63, v0;
	v1 =	vsel vm0, v3, v1;
	(pc) =	sbr.rel @p0 .LBB2_2-.Ltmp1, $4  }
0xc9: {  	v1 =	vsel vm15, v2, v1  }
0xca: {  	v1 =	vsub.f32 $1.200000000e+01, v1  }
0xcb: {  	s0 =	sand.u32 $0x3FFFFFF0, s31  }
0xcc: {  	s3 =	sadd.s32 $0x800, s3;
	s21 =	sadd.s32 $0x800, s21;
	[tilespmem:s0+$0x8180] =	vst v1  }
0xcd: {  	s19 =	sadd.s32 $0x1, s19  }
0xce: {  	p0 =	sne.s32 s19, s9  }
.Ltmp2:
0xcf: {  	_ = 	snop;
	(pc) =	sbr.rel @p0 .LBB2_1-.Ltmp2, $4  }
0xd0: {  	[hbm4b:s8+s4] =	stream.linear.scatter [tilespmem:s17], [sflag:$0x4], $0x80, $0x38;
	[tilespmem:$0x8500] =	vst v63  }
0xd1: {  	_ =	swait.ge [sflag:s18], $0x80  }
0xd2: {  	[sflag:s18] =	ssyncset.done $0x0  }
0xd3: {  	[sflag:s18] =	ssyncadd.s32 $0xFFFFFF80  }
0xd4: {  	_ =	sfence.sel $0x180000  }
0xd5: {  	[bflag:$0x0] =	sbarrier.arrive $0xFFFF  }
0xd6: {  	_ =	strace $0x90000047  }
0xd7: {  	s0 =	stileid.u32;
	[bflag:$0x2] =	sbarrier.arrive $0xFFFF  }
0xd8: {  	p0 =	sne.s32 s0, $0x0;
	s0 =	rddreg [dreg:$0x4]  }
0xd9: {  	s0 =	sadd.s32 @!p0 $0x100000, s0  }
0xda: {  	[sflag:s0] =	ssyncadd.tile.s32 @!p0 $0x1;
	_ =	shalt  }
.Lfunc_end2:
_tile_overlayer_lowered:
.L_overlay_start_2:
0xdb: {  	(tag) =	ssettag $0x2  }
0xdc: {  	s0 =	rddreg [dreg:$0x0];
	s2 =	stileid.u32  }
0xdd: {  	s1 =	rddreg [dreg:$0x1];
	p0 =	sne.s32 s2, $0x0  }
0xde: {  	s3 =	rddreg [dreg:$0x2];
	[bflag:$0x3] =	sbarrier.arrive $0xFFFF;
	s2 =	simm.s32 @!p0 $0x1C04  }
0xdf: {  	[timem:s3], [sflag:s2] =	dma.local @!p0 [hbm:s0], s1  }
0xe0: {  	s0 =	simm.s32 @!p0 $0x4  }
0xe1: {  	_ =	swait.ge @!p0 [sflag:s0], s1  }
0xe2: {  	s1 =	ssub.s32 @!p0 $0x0, s1;
	[sflag:s0] =	ssyncset.done @!p0 $0x0  }
0xe3: {  	[sflag:s0] =	ssyncadd.s32 @!p0 s1  }
0xe4: {  	[bflag:$0x3] =	sbarrier.arrive $0xFFFF  }
0xe5: {  	_ =	shalt  }

</sc_bundles>
